<compile_context>
chip_gen: v7x
topology: tpu7x:2x2x1
jax: 0.10.2.dev20260603
libtpu: 0.0.44.dev20260713+nightly
codegen_flags: <defaults>
</compile_context>

<pallas_src>
import functools

import jax
import jax.numpy as jnp
from jax import lax
from jax.experimental import pallas as pl
from jax.experimental.pallas import tpu as pltpu
from jax.experimental.pallas import tpu_sc as plsc

_info = plsc.get_sparse_core_info()
_NC, _NS = _info.num_cores, _info.num_subcores
_NW = _NC * _NS

_CHUNK = 128


def _make_gather(V, D, B):
  b_per_w = B // _NW
  n_chunks = b_per_w // _CHUNK
  mesh = plsc.VectorSubcoreMesh(core_axis_name="c", subcore_axis_name="s")

  @functools.partial(
      pl.kernel,
      mesh=mesh,
      out_type=jax.ShapeDtypeStruct((B, D), jnp.float32),
      scratch_types=[
          pltpu.VMEM((b_per_w,), jnp.int32),
          pltpu.VMEM((b_per_w, D), jnp.float32),
          pltpu.VMEM_SHARED((_NS * (b_per_w // 2), D), jnp.float32),
          pltpu.SemaphoreType.DMA((n_chunks,)),
          pltpu.SemaphoreType.DMA((n_chunks,)),
          pltpu.SemaphoreType.DMA,
          pltpu.SemaphoreType.DMA,
      ],
  )
  def k(table_hbm, idx_hbm, out_hbm, idx_v, rows_v, stage_s, isems, gsems,
        wsem, ssem):
    wid = lax.axis_index("s") * _NC + lax.axis_index("c")
    base = wid * b_per_w
    idx_copies = []
    for j in range(n_chunks):
      idx_copies.append(
          pltpu.async_copy(
              idx_hbm.at[pl.ds(base + j * _CHUNK, _CHUNK)],
              idx_v.at[pl.ds(j * _CHUNK, _CHUNK)],
              isems.at[j],
          )
      )
    gathers = []
    for j in range(n_chunks):
      idx_copies[j].wait()
      gathers.append(
          pltpu.async_copy(
              table_hbm.at[idx_v.at[pl.ds(j * _CHUNK, _CHUNK)]],
              rows_v.at[pl.ds(j * _CHUNK, _CHUNK)],
              gsems.at[j],
          )
      )
    sid = lax.axis_index("s")
    half = n_chunks // 2
    writes = []
    spmem_writes = []
    for j in range(n_chunks):
      gathers[j].wait()
      if j < half:
        writes.append(
            pltpu.async_copy(
                rows_v.at[pl.ds(j * _CHUNK, _CHUNK)],
                out_hbm.at[pl.ds(base + j * _CHUNK, _CHUNK)],
                wsem,
            )
        )
      else:
        jj = j - half
        spmem_writes.append(
            pltpu.async_copy(
                rows_v.at[pl.ds(j * _CHUNK, _CHUNK)],
                stage_s.at[pl.ds((sid * half + jj) * _CHUNK, _CHUNK)],
                ssem,
            )
        )
    for j, sw in enumerate(spmem_writes):
      sw.wait()
      writes.append(
          pltpu.async_copy(
              stage_s.at[pl.ds((sid * half + j) * _CHUNK, _CHUNK)],
              out_hbm.at[pl.ds(base + (half + j) * _CHUNK, _CHUNK)],
              wsem,
          )
      )
    for w in writes:
      w.wait()

  return k


def kernel(scores, user_ids):
  V, D = scores.shape
  B = user_ids.shape[0]
  gather = _make_gather(V, D, B)
  return gather(scores, user_ids.astype(jnp.int32))

# --- scband reference (transcript-rebuilt; emitter-appended) ---
"""Pipeline reference for scband-static-score-model-11845519803064 (READ-ONLY COPY).

The authoritative reference and input builder live on the scoring server;
editing this copy changes nothing except your own understanding.
"""

import jax, jax.numpy as jnp
import numpy as np

N_USERS = 100000
N_COLS = 128
BATCH = 16384

def setup_inputs(seed: int = 0) -> dict:
    key = jax.random.key(seed)
    k_scores, k_ids = jax.random.split(key)
    scores = jax.random.normal(k_scores, (N_USERS, N_COLS), dtype=jnp.float32)
    user_ids = jax.random.randint(k_ids, (BATCH,), 0, N_USERS, dtype=jnp.int64 if jax.config.jax_enable_x64 else jnp.int32)
    return {"scores": scores, "user_ids": user_ids}

def reference(scores, user_ids):
    # StaticScoreModel.predict: row-gather from the precomputed score buffer
    return jnp.take(scores, user_ids, axis=0)

if __name__ == "__main__":
    import jax
    _d = setup_inputs()
    print(jax.jit(kernel)(*tuple(_d.values())))

</pallas_src>

<mosaic_0001>
#map = affine_map<(d0, d1) -> (0, 0)>
#map1 = affine_map<(d0, d1) -> (0)>
module attributes {stable_mosaic.version = 14 : i64} {
  func.func @k(%arg0: i32, %arg1: i32, %arg2: memref<100000x128xf32, #tpu.memory_space<hbm>>, %arg3: memref<16384xi32, #tpu.memory_space<hbm>>, %arg4: memref<16384x128xf32, #tpu.memory_space<hbm>>, %arg5: memref<512xi32, #tpu.memory_space<vmem>>, %arg6: memref<512x128xf32, #tpu.memory_space<vmem>>, %arg7: memref<4096x128xf32, #tpu.memory_space<vmem_shared>>, %arg8: memref<4x!tpu.dma_semaphore, #tpu.memory_space<semaphore_mem>>, %arg9: memref<4x!tpu.dma_semaphore, #tpu.memory_space<semaphore_mem>>, %arg10: memref<!tpu.dma_semaphore, #tpu.memory_space<semaphore_mem>>, %arg11: memref<!tpu.dma_semaphore, #tpu.memory_space<semaphore_mem>>) attributes {dimension_semantics = [#tpu.dimension_semantics<core_parallel>, #tpu.dimension_semantics<subcore_parallel>], iteration_bounds = array<i64: 2, 16>, scalar_prefetch = 0 : i64, scratch_operands = 7 : i64, tpu.core_type = #tpu.core_type<sc_vector_subcore>, window_params = [{transform_indices = #map}, {transform_indices = #map1}, {transform_indices = #map}]} {
    %mul3A = arith.constant 2 : i32
    %mul3A_0 = arith.muli %arg1, %mul3A : i32
    %add3A = arith.addi %mul3A_0, %arg0 : i32
    %mul3A_1 = arith.constant 512 : i32
    %mul3A_2 = arith.muli %add3A, %mul3A_1 : i32
    %add3A_3 = arith.constant 0 : i32
    %add3A_4 = arith.addi %mul3A_2, %add3A_3 : i32
    %dma_start3A = arith.constant 0 : i32
    %dma_start3A_5 = arith.constant 0 : i32
    %dma_start3A_6 = tpu.memref_slice %arg5[%dma_start3A_5] : memref<512xi32, #tpu.memory_space<vmem>> -> memref<128xi32, #tpu.memory_space<vmem>>
    %dma_start3A_7 = tpu.memref_slice %arg3[%add3A_4] : memref<16384xi32, #tpu.memory_space<hbm>> -> memref<128xi32, #tpu.memory_space<hbm>>
    %dma_start3A_8 = tpu.memref_slice %arg8[%dma_start3A] : memref<4x!tpu.dma_semaphore, #tpu.memory_space<semaphore_mem>> -> memref<1x!tpu.dma_semaphore, #tpu.memory_space<semaphore_mem>>
    %dma_start3A_9 = tpu.memref_squeeze %dma_start3A_8 : memref<1x!tpu.dma_semaphore, #tpu.memory_space<semaphore_mem>> -> memref<!tpu.dma_semaphore, #tpu.memory_space<semaphore_mem>>
    %dma_start3A_10 = arith.constant 0 : i32
    %dma_start3A_11 = tpu.memref_slice %arg5[%dma_start3A_10] : memref<512xi32, #tpu.memory_space<vmem>> -> memref<128xi32, #tpu.memory_space<vmem>>
    %dma_start3A_12 = tpu.memref_slice %arg3[%add3A_4] : memref<16384xi32, #tpu.memory_space<hbm>> -> memref<128xi32, #tpu.memory_space<hbm>>
    tpu.enqueue_dma source(%dma_start3A_12 : memref<128xi32, #tpu.memory_space<hbm>>) target(%dma_start3A_11 : memref<128xi32, #tpu.memory_space<vmem>>) target_semaphore(%dma_start3A_9 : memref<!tpu.dma_semaphore, #tpu.memory_space<semaphore_mem>>)
    %add3A_13 = arith.constant 128 : i32
    %add3A_14 = arith.addi %mul3A_2, %add3A_13 : i32
    %dma_start3A_15 = arith.constant 1 : i32
    %dma_start3A_16 = arith.constant 128 : i32
    %dma_start3A_17 = tpu.memref_slice %arg5[%dma_start3A_16] : memref<512xi32, #tpu.memory_space<vmem>> -> memref<128xi32, #tpu.memory_space<vmem>>
    %dma_start3A_18 = tpu.memref_slice %arg3[%add3A_14] : memref<16384xi32, #tpu.memory_space<hbm>> -> memref<128xi32, #tpu.memory_space<hbm>>
    %dma_start3A_19 = tpu.memref_slice %arg8[%dma_start3A_15] : memref<4x!tpu.dma_semaphore, #tpu.memory_space<semaphore_mem>> -> memref<1x!tpu.dma_semaphore, #tpu.memory_space<semaphore_mem>>
    %dma_start3A_20 = tpu.memref_squeeze %dma_start3A_19 : memref<1x!tpu.dma_semaphore, #tpu.memory_space<semaphore_mem>> -> memref<!tpu.dma_semaphore, #tpu.memory_space<semaphore_mem>>
    %dma_start3A_21 = arith.constant 128 : i32
    %dma_start3A_22 = tpu.memref_slice %arg5[%dma_start3A_21] : memref<512xi32, #tpu.memory_space<vmem>> -> memref<128xi32, #tpu.memory_space<vmem>>
    %dma_start3A_23 = tpu.memref_slice %arg3[%add3A_14] : memref<16384xi32, #tpu.memory_space<hbm>> -> memref<128xi32, #tpu.memory_space<hbm>>
    tpu.enqueue_dma source(%dma_start3A_23 : memref<128xi32, #tpu.memory_space<hbm>>) target(%dma_start3A_22 : memref<128xi32, #tpu.memory_space<vmem>>) target_semaphore(%dma_start3A_20 : memref<!tpu.dma_semaphore, #tpu.memory_space<semaphore_mem>>)
    %add3A_24 = arith.constant 256 : i32
    %add3A_25 = arith.addi %mul3A_2, %add3A_24 : i32
    %dma_start3A_26 = arith.constant 2 : i32
    %dma_start3A_27 = arith.constant 256 : i32
    %dma_start3A_28 = tpu.memref_slice %arg5[%dma_start3A_27] : memref<512xi32, #tpu.memory_space<vmem>> -> memref<128xi32, #tpu.memory_space<vmem>>
    %dma_start3A_29 = tpu.memref_slice %arg3[%add3A_25] : memref<16384xi32, #tpu.memory_space<hbm>> -> memref<128xi32, #tpu.memory_space<hbm>>
    %dma_start3A_30 = tpu.memref_slice %arg8[%dma_start3A_26] : memref<4x!tpu.dma_semaphore, #tpu.memory_space<semaphore_mem>> -> memref<1x!tpu.dma_semaphore, #tpu.memory_space<semaphore_mem>>
    %dma_start3A_31 = tpu.memref_squeeze %dma_start3A_30 : memref<1x!tpu.dma_semaphore, #tpu.memory_space<semaphore_mem>> -> memref<!tpu.dma_semaphore, #tpu.memory_space<semaphore_mem>>
    %dma_start3A_32 = arith.constant 256 : i32
    %dma_start3A_33 = tpu.memref_slice %arg5[%dma_start3A_32] : memref<512xi32, #tpu.memory_space<vmem>> -> memref<128xi32, #tpu.memory_space<vmem>>
    %dma_start3A_34 = tpu.memref_slice %arg3[%add3A_25] : memref<16384xi32, #tpu.memory_space<hbm>> -> memref<128xi32, #tpu.memory_space<hbm>>
    tpu.enqueue_dma source(%dma_start3A_34 : memref<128xi32, #tpu.memory_space<hbm>>) target(%dma_start3A_33 : memref<128xi32, #tpu.memory_space<vmem>>) target_semaphore(%dma_start3A_31 : memref<!tpu.dma_semaphore, #tpu.memory_space<semaphore_mem>>)
    %add3A_35 = arith.constant 384 : i32
    %add3A_36 = arith.addi %mul3A_2, %add3A_35 : i32
    %dma_start3A_37 = arith.constant 3 : i32
    %dma_start3A_38 = arith.constant 384 : i32
    %dma_start3A_39 = tpu.memref_slice %arg5[%dma_start3A_38] : memref<512xi32, #tpu.memory_space<vmem>> -> memref<128xi32, #tpu.memory_space<vmem>>
    %dma_start3A_40 = tpu.memref_slice %arg3[%add3A_36] : memref<16384xi32, #tpu.memory_space<hbm>> -> memref<128xi32, #tpu.memory_space<hbm>>
    %dma_start3A_41 = tpu.memref_slice %arg8[%dma_start3A_37] : memref<4x!tpu.dma_semaphore, #tpu.memory_space<semaphore_mem>> -> memref<1x!tpu.dma_semaphore, #tpu.memory_space<semaphore_mem>>
    %dma_start3A_42 = tpu.memref_squeeze %dma_start3A_41 : memref<1x!tpu.dma_semaphore, #tpu.memory_space<semaphore_mem>> -> memref<!tpu.dma_semaphore, #tpu.memory_space<semaphore_mem>>
    %dma_start3A_43 = arith.constant 384 : i32
    %dma_start3A_44 = tpu.memref_slice %arg5[%dma_start3A_43] : memref<512xi32, #tpu.memory_space<vmem>> -> memref<128xi32, #tpu.memory_space<vmem>>
    %dma_start3A_45 = tpu.memref_slice %arg3[%add3A_36] : memref<16384xi32, #tpu.memory_space<hbm>> -> memref<128xi32, #tpu.memory_space<hbm>>
    tpu.enqueue_dma source(%dma_start3A_45 : memref<128xi32, #tpu.memory_space<hbm>>) target(%dma_start3A_44 : memref<128xi32, #tpu.memory_space<vmem>>) target_semaphore(%dma_start3A_42 : memref<!tpu.dma_semaphore, #tpu.memory_space<semaphore_mem>>)
    %dma_wait3A = arith.constant 0 : i32
    %dma_wait3A_46 = arith.constant 0 : i32
    %dma_wait3A_47 = tpu.memref_slice %arg5[%dma_wait3A_46] : memref<512xi32, #tpu.memory_space<vmem>> -> memref<128xi32, #tpu.memory_space<vmem>>
    %dma_wait3A_48 = tpu.memref_slice %arg3[%add3A_4] : memref<16384xi32, #tpu.memory_space<hbm>> -> memref<128xi32, #tpu.memory_space<hbm>>
    %dma_wait3A_49 = tpu.memref_slice %arg8[%dma_wait3A] : memref<4x!tpu.dma_semaphore, #tpu.memory_space<semaphore_mem>> -> memref<1x!tpu.dma_semaphore, #tpu.memory_space<semaphore_mem>>
    %dma_wait3A_50 = tpu.memref_squeeze %dma_wait3A_49 : memref<1x!tpu.dma_semaphore, #tpu.memory_space<semaphore_mem>> -> memref<!tpu.dma_semaphore, #tpu.memory_space<semaphore_mem>>
    %dma_wait3A_51 = arith.constant 0 : i32
    %dma_wait3A_52 = tpu.memref_slice %arg5[%dma_wait3A_51] : memref<512xi32, #tpu.memory_space<vmem>> -> memref<128xi32, #tpu.memory_space<vmem>>
    %dma_wait3A_53 = tpu.memref_slice %arg3[%add3A_4] : memref<16384xi32, #tpu.memory_space<hbm>> -> memref<128xi32, #tpu.memory_space<hbm>>
    tpu.wait_dma2 semaphore(%dma_wait3A_50 : memref<!tpu.dma_semaphore, #tpu.memory_space<semaphore_mem>>) src(%dma_wait3A_53 : memref<128xi32, #tpu.memory_space<hbm>>) dst(%dma_wait3A_52 : memref<128xi32, #tpu.memory_space<vmem>>)
    %dma_start3A_54 = arith.constant 0 : i32
    %dma_start3A_55 = arith.constant 0 : i32
    %dma_start3A_56 = arith.constant 0 : i32
    %dma_start3A_57 = tpu.memref_slice %arg6[%dma_start3A_55, %dma_start3A_56] : memref<512x128xf32, #tpu.memory_space<vmem>> -> memref<128x128xf32, #tpu.memory_space<vmem>>
    %dma_start3A_58 = arith.constant 0 : i32
    %dma_start3A_59 = tpu.memref_slice %arg5[%dma_start3A_58] : memref<512xi32, #tpu.memory_space<vmem>> -> memref<128xi32, #tpu.memory_space<vmem>>
    %dma_start3A_60 = arith.constant 0 : i32
    %dma_start3A_61 = arith.constant 0 : i32
    %dma_start3A_62 = tpu.memref_slice %arg2[%dma_start3A_60, %dma_start3A_61] : memref<100000x128xf32, #tpu.memory_space<hbm>> -> memref<100000x128xf32, #tpu.memory_space<hbm>>
    %dma_start3A_63 = tpu.memref_slice %arg9[%dma_start3A_54] : memref<4x!tpu.dma_semaphore, #tpu.memory_space<semaphore_mem>> -> memref<1x!tpu.dma_semaphore, #tpu.memory_space<semaphore_mem>>
    %dma_start3A_64 = tpu.memref_squeeze %dma_start3A_63 : memref<1x!tpu.dma_semaphore, #tpu.memory_space<semaphore_mem>> -> memref<!tpu.dma_semaphore, #tpu.memory_space<semaphore_mem>>
    tpu.enqueue_indirect_dma source(%dma_start3A_62 : memref<100000x128xf32, #tpu.memory_space<hbm>>) target(%dma_start3A_57 : memref<128x128xf32, #tpu.memory_space<vmem>>) offsets(%dma_start3A_59 : memref<128xi32, #tpu.memory_space<vmem>>) semaphore(%dma_start3A_64 : memref<!tpu.dma_semaphore, #tpu.memory_space<semaphore_mem>>)
    %dma_wait3A_65 = arith.constant 1 : i32
    %dma_wait3A_66 = arith.constant 128 : i32
    %dma_wait3A_67 = tpu.memref_slice %arg5[%dma_wait3A_66] : memref<512xi32, #tpu.memory_space<vmem>> -> memref<128xi32, #tpu.memory_space<vmem>>
    %dma_wait3A_68 = tpu.memref_slice %arg3[%add3A_14] : memref<16384xi32, #tpu.memory_space<hbm>> -> memref<128xi32, #tpu.memory_space<hbm>>
    %dma_wait3A_69 = tpu.memref_slice %arg8[%dma_wait3A_65] : memref<4x!tpu.dma_semaphore, #tpu.memory_space<semaphore_mem>> -> memref<1x!tpu.dma_semaphore, #tpu.memory_space<semaphore_mem>>
    %dma_wait3A_70 = tpu.memref_squeeze %dma_wait3A_69 : memref<1x!tpu.dma_semaphore, #tpu.memory_space<semaphore_mem>> -> memref<!tpu.dma_semaphore, #tpu.memory_space<semaphore_mem>>
    %dma_wait3A_71 = arith.constant 128 : i32
    %dma_wait3A_72 = tpu.memref_slice %arg5[%dma_wait3A_71] : memref<512xi32, #tpu.memory_space<vmem>> -> memref<128xi32, #tpu.memory_space<vmem>>
    %dma_wait3A_73 = tpu.memref_slice %arg3[%add3A_14] : memref<16384xi32, #tpu.memory_space<hbm>> -> memref<128xi32, #tpu.memory_space<hbm>>
    tpu.wait_dma2 semaphore(%dma_wait3A_70 : memref<!tpu.dma_semaphore, #tpu.memory_space<semaphore_mem>>) src(%dma_wait3A_73 : memref<128xi32, #tpu.memory_space<hbm>>) dst(%dma_wait3A_72 : memref<128xi32, #tpu.memory_space<vmem>>)
    %dma_start3A_74 = arith.constant 1 : i32
    %dma_start3A_75 = arith.constant 128 : i32
    %dma_start3A_76 = arith.constant 0 : i32
    %dma_start3A_77 = tpu.memref_slice %arg6[%dma_start3A_75, %dma_start3A_76] : memref<512x128xf32, #tpu.memory_space<vmem>> -> memref<128x128xf32, #tpu.memory_space<vmem>>
    %dma_start3A_78 = arith.constant 128 : i32
    %dma_start3A_79 = tpu.memref_slice %arg5[%dma_start3A_78] : memref<512xi32, #tpu.memory_space<vmem>> -> memref<128xi32, #tpu.memory_space<vmem>>
    %dma_start3A_80 = arith.constant 0 : i32
    %dma_start3A_81 = arith.constant 0 : i32
    %dma_start3A_82 = tpu.memref_slice %arg2[%dma_start3A_80, %dma_start3A_81] : memref<100000x128xf32, #tpu.memory_space<hbm>> -> memref<100000x128xf32, #tpu.memory_space<hbm>>
    %dma_start3A_83 = tpu.memref_slice %arg9[%dma_start3A_74] : memref<4x!tpu.dma_semaphore, #tpu.memory_space<semaphore_mem>> -> memref<1x!tpu.dma_semaphore, #tpu.memory_space<semaphore_mem>>
    %dma_start3A_84 = tpu.memref_squeeze %dma_start3A_83 : memref<1x!tpu.dma_semaphore, #tpu.memory_space<semaphore_mem>> -> memref<!tpu.dma_semaphore, #tpu.memory_space<semaphore_mem>>
    tpu.enqueue_indirect_dma source(%dma_start3A_82 : memref<100000x128xf32, #tpu.memory_space<hbm>>) target(%dma_start3A_77 : memref<128x128xf32, #tpu.memory_space<vmem>>) offsets(%dma_start3A_79 : memref<128xi32, #tpu.memory_space<vmem>>) semaphore(%dma_start3A_84 : memref<!tpu.dma_semaphore, #tpu.memory_space<semaphore_mem>>)
    %dma_wait3A_85 = arith.constant 2 : i32
    %dma_wait3A_86 = arith.constant 256 : i32
    %dma_wait3A_87 = tpu.memref_slice %arg5[%dma_wait3A_86] : memref<512xi32, #tpu.memory_space<vmem>> -> memref<128xi32, #tpu.memory_space<vmem>>
    %dma_wait3A_88 = tpu.memref_slice %arg3[%add3A_25] : memref<16384xi32, #tpu.memory_space<hbm>> -> memref<128xi32, #tpu.memory_space<hbm>>
    %dma_wait3A_89 = tpu.memref_slice %arg8[%dma_wait3A_85] : memref<4x!tpu.dma_semaphore, #tpu.memory_space<semaphore_mem>> -> memref<1x!tpu.dma_semaphore, #tpu.memory_space<semaphore_mem>>
    %dma_wait3A_90 = tpu.memref_squeeze %dma_wait3A_89 : memref<1x!tpu.dma_semaphore, #tpu.memory_space<semaphore_mem>> -> memref<!tpu.dma_semaphore, #tpu.memory_space<semaphore_mem>>
    %dma_wait3A_91 = arith.constant 256 : i32
    %dma_wait3A_92 = tpu.memref_slice %arg5[%dma_wait3A_91] : memref<512xi32, #tpu.memory_space<vmem>> -> memref<128xi32, #tpu.memory_space<vmem>>
    %dma_wait3A_93 = tpu.memref_slice %arg3[%add3A_25] : memref<16384xi32, #tpu.memory_space<hbm>> -> memref<128xi32, #tpu.memory_space<hbm>>
    tpu.wait_dma2 semaphore(%dma_wait3A_90 : memref<!tpu.dma_semaphore, #tpu.memory_space<semaphore_mem>>) src(%dma_wait3A_93 : memref<128xi32, #tpu.memory_space<hbm>>) dst(%dma_wait3A_92 : memref<128xi32, #tpu.memory_space<vmem>>)
    %dma_start3A_94 = arith.constant 2 : i32
    %dma_start3A_95 = arith.constant 256 : i32
    %dma_start3A_96 = arith.constant 0 : i32
    %dma_start3A_97 = tpu.memref_slice %arg6[%dma_start3A_95, %dma_start3A_96] : memref<512x128xf32, #tpu.memory_space<vmem>> -> memref<128x128xf32, #tpu.memory_space<vmem>>
    %dma_start3A_98 = arith.constant 256 : i32
    %dma_start3A_99 = tpu.memref_slice %arg5[%dma_start3A_98] : memref<512xi32, #tpu.memory_space<vmem>> -> memref<128xi32, #tpu.memory_space<vmem>>
    %dma_start3A_100 = arith.constant 0 : i32
    %dma_start3A_101 = arith.constant 0 : i32
    %dma_start3A_102 = tpu.memref_slice %arg2[%dma_start3A_100, %dma_start3A_101] : memref<100000x128xf32, #tpu.memory_space<hbm>> -> memref<100000x128xf32, #tpu.memory_space<hbm>>
    %dma_start3A_103 = tpu.memref_slice %arg9[%dma_start3A_94] : memref<4x!tpu.dma_semaphore, #tpu.memory_space<semaphore_mem>> -> memref<1x!tpu.dma_semaphore, #tpu.memory_space<semaphore_mem>>
    %dma_start3A_104 = tpu.memref_squeeze %dma_start3A_103 : memref<1x!tpu.dma_semaphore, #tpu.memory_space<semaphore_mem>> -> memref<!tpu.dma_semaphore, #tpu.memory_space<semaphore_mem>>
    tpu.enqueue_indirect_dma source(%dma_start3A_102 : memref<100000x128xf32, #tpu.memory_space<hbm>>) target(%dma_start3A_97 : memref<128x128xf32, #tpu.memory_space<vmem>>) offsets(%dma_start3A_99 : memref<128xi32, #tpu.memory_space<vmem>>) semaphore(%dma_start3A_104 : memref<!tpu.dma_semaphore, #tpu.memory_space<semaphore_mem>>)
    %dma_wait3A_105 = arith.constant 3 : i32
    %dma_wait3A_106 = arith.constant 384 : i32
    %dma_wait3A_107 = tpu.memref_slice %arg5[%dma_wait3A_106] : memref<512xi32, #tpu.memory_space<vmem>> -> memref<128xi32, #tpu.memory_space<vmem>>
    %dma_wait3A_108 = tpu.memref_slice %arg3[%add3A_36] : memref<16384xi32, #tpu.memory_space<hbm>> -> memref<128xi32, #tpu.memory_space<hbm>>
    %dma_wait3A_109 = tpu.memref_slice %arg8[%dma_wait3A_105] : memref<4x!tpu.dma_semaphore, #tpu.memory_space<semaphore_mem>> -> memref<1x!tpu.dma_semaphore, #tpu.memory_space<semaphore_mem>>
    %dma_wait3A_110 = tpu.memref_squeeze %dma_wait3A_109 : memref<1x!tpu.dma_semaphore, #tpu.memory_space<semaphore_mem>> -> memref<!tpu.dma_semaphore, #tpu.memory_space<semaphore_mem>>
    %dma_wait3A_111 = arith.constant 384 : i32
    %dma_wait3A_112 = tpu.memref_slice %arg5[%dma_wait3A_111] : memref<512xi32, #tpu.memory_space<vmem>> -> memref<128xi32, #tpu.memory_space<vmem>>
    %dma_wait3A_113 = tpu.memref_slice %arg3[%add3A_36] : memref<16384xi32, #tpu.memory_space<hbm>> -> memref<128xi32, #tpu.memory_space<hbm>>
    tpu.wait_dma2 semaphore(%dma_wait3A_110 : memref<!tpu.dma_semaphore, #tpu.memory_space<semaphore_mem>>) src(%dma_wait3A_113 : memref<128xi32, #tpu.memory_space<hbm>>) dst(%dma_wait3A_112 : memref<128xi32, #tpu.memory_space<vmem>>)
    %dma_start3A_114 = arith.constant 3 : i32
    %dma_start3A_115 = arith.constant 384 : i32
    %dma_start3A_116 = arith.constant 0 : i32
    %dma_start3A_117 = tpu.memref_slice %arg6[%dma_start3A_115, %dma_start3A_116] : memref<512x128xf32, #tpu.memory_space<vmem>> -> memref<128x128xf32, #tpu.memory_space<vmem>>
    %dma_start3A_118 = arith.constant 384 : i32
    %dma_start3A_119 = tpu.memref_slice %arg5[%dma_start3A_118] : memref<512xi32, #tpu.memory_space<vmem>> -> memref<128xi32, #tpu.memory_space<vmem>>
    %dma_start3A_120 = arith.constant 0 : i32
    %dma_start3A_121 = arith.constant 0 : i32
    %dma_start3A_122 = tpu.memref_slice %arg2[%dma_start3A_120, %dma_start3A_121] : memref<100000x128xf32, #tpu.memory_space<hbm>> -> memref<100000x128xf32, #tpu.memory_space<hbm>>
    %dma_start3A_123 = tpu.memref_slice %arg9[%dma_start3A_114] : memref<4x!tpu.dma_semaphore, #tpu.memory_space<semaphore_mem>> -> memref<1x!tpu.dma_semaphore, #tpu.memory_space<semaphore_mem>>
    %dma_start3A_124 = tpu.memref_squeeze %dma_start3A_123 : memref<1x!tpu.dma_semaphore, #tpu.memory_space<semaphore_mem>> -> memref<!tpu.dma_semaphore, #tpu.memory_space<semaphore_mem>>
    tpu.enqueue_indirect_dma source(%dma_start3A_122 : memref<100000x128xf32, #tpu.memory_space<hbm>>) target(%dma_start3A_117 : memref<128x128xf32, #tpu.memory_space<vmem>>) offsets(%dma_start3A_119 : memref<128xi32, #tpu.memory_space<vmem>>) semaphore(%dma_start3A_124 : memref<!tpu.dma_semaphore, #tpu.memory_space<semaphore_mem>>)
    %dma_wait3A_125 = arith.constant 0 : i32
    %dma_wait3A_126 = arith.constant 0 : i32
    %dma_wait3A_127 = arith.constant 0 : i32
    %dma_wait3A_128 = tpu.memref_slice %arg6[%dma_wait3A_126, %dma_wait3A_127] : memref<512x128xf32, #tpu.memory_space<vmem>> -> memref<128x128xf32, #tpu.memory_space<vmem>>
    %dma_wait3A_129 = arith.constant 0 : i32
    %dma_wait3A_130 = tpu.memref_slice %arg5[%dma_wait3A_129] : memref<512xi32, #tpu.memory_space<vmem>> -> memref<128xi32, #tpu.memory_space<vmem>>
    %dma_wait3A_131 = arith.constant 0 : i32
    %dma_wait3A_132 = arith.constant 0 : i32
    %dma_wait3A_133 = tpu.memref_slice %arg2[%dma_wait3A_131, %dma_wait3A_132] : memref<100000x128xf32, #tpu.memory_space<hbm>> -> memref<100000x128xf32, #tpu.memory_space<hbm>>
    %dma_wait3A_134 = tpu.memref_slice %arg9[%dma_wait3A_125] : memref<4x!tpu.dma_semaphore, #tpu.memory_space<semaphore_mem>> -> memref<1x!tpu.dma_semaphore, #tpu.memory_space<semaphore_mem>>
    %dma_wait3A_135 = tpu.memref_squeeze %dma_wait3A_134 : memref<1x!tpu.dma_semaphore, #tpu.memory_space<semaphore_mem>> -> memref<!tpu.dma_semaphore, #tpu.memory_space<semaphore_mem>>
    tpu.wait_indirect_dma semaphore(%dma_wait3A_135 : memref<!tpu.dma_semaphore, #tpu.memory_space<semaphore_mem>>) src(%dma_wait3A_133 : memref<100000x128xf32, #tpu.memory_space<hbm>>) dst(%dma_wait3A_128 : memref<128x128xf32, #tpu.memory_space<vmem>>)
    %add3A_136 = arith.constant 0 : i32
    %add3A_137 = arith.addi %mul3A_2, %add3A_136 : i32
    %dma_start3A_138 = arith.constant 0 : i32
    %dma_start3A_139 = arith.constant 0 : i32
    %dma_start3A_140 = tpu.memref_slice %arg6[%dma_start3A_138, %dma_start3A_139] : memref<512x128xf32, #tpu.memory_space<vmem>> -> memref<128x128xf32, #tpu.memory_space<vmem>>
    %dma_start3A_141 = arith.constant 0 : i32
    %dma_start3A_142 = tpu.memref_slice %arg4[%add3A_137, %dma_start3A_141] : memref<16384x128xf32, #tpu.memory_space<hbm>> -> memref<128x128xf32, #tpu.memory_space<hbm>>
    %dma_start3A_143 = arith.constant 0 : i32
    %dma_start3A_144 = tpu.memref_slice %arg4[%add3A_137, %dma_start3A_143] : memref<16384x128xf32, #tpu.memory_space<hbm>> -> memref<128x128xf32, #tpu.memory_space<hbm>>
    %dma_start3A_145 = arith.constant 0 : i32
    %dma_start3A_146 = arith.constant 0 : i32
    %dma_start3A_147 = tpu.memref_slice %arg6[%dma_start3A_145, %dma_start3A_146] : memref<512x128xf32, #tpu.memory_space<vmem>> -> memref<128x128xf32, #tpu.memory_space<vmem>>
    tpu.enqueue_dma source(%dma_start3A_147 : memref<128x128xf32, #tpu.memory_space<vmem>>) target(%dma_start3A_144 : memref<128x128xf32, #tpu.memory_space<hbm>>) target_semaphore(%arg10 : memref<!tpu.dma_semaphore, #tpu.memory_space<semaphore_mem>>)
    %dma_wait3A_148 = arith.constant 1 : i32
    %dma_wait3A_149 = arith.constant 128 : i32
    %dma_wait3A_150 = arith.constant 0 : i32
    %dma_wait3A_151 = tpu.memref_slice %arg6[%dma_wait3A_149, %dma_wait3A_150] : memref<512x128xf32, #tpu.memory_space<vmem>> -> memref<128x128xf32, #tpu.memory_space<vmem>>
    %dma_wait3A_152 = arith.constant 128 : i32
    %dma_wait3A_153 = tpu.memref_slice %arg5[%dma_wait3A_152] : memref<512xi32, #tpu.memory_space<vmem>> -> memref<128xi32, #tpu.memory_space<vmem>>
    %dma_wait3A_154 = arith.constant 0 : i32
    %dma_wait3A_155 = arith.constant 0 : i32
    %dma_wait3A_156 = tpu.memref_slice %arg2[%dma_wait3A_154, %dma_wait3A_155] : memref<100000x128xf32, #tpu.memory_space<hbm>> -> memref<100000x128xf32, #tpu.memory_space<hbm>>
    %dma_wait3A_157 = tpu.memref_slice %arg9[%dma_wait3A_148] : memref<4x!tpu.dma_semaphore, #tpu.memory_space<semaphore_mem>> -> memref<1x!tpu.dma_semaphore, #tpu.memory_space<semaphore_mem>>
    %dma_wait3A_158 = tpu.memref_squeeze %dma_wait3A_157 : memref<1x!tpu.dma_semaphore, #tpu.memory_space<semaphore_mem>> -> memref<!tpu.dma_semaphore, #tpu.memory_space<semaphore_mem>>
    tpu.wait_indirect_dma semaphore(%dma_wait3A_158 : memref<!tpu.dma_semaphore, #tpu.memory_space<semaphore_mem>>) src(%dma_wait3A_156 : memref<100000x128xf32, #tpu.memory_space<hbm>>) dst(%dma_wait3A_151 : memref<128x128xf32, #tpu.memory_space<vmem>>)
    %add3A_159 = arith.constant 128 : i32
    %add3A_160 = arith.addi %mul3A_2, %add3A_159 : i32
    %dma_start3A_161 = arith.constant 128 : i32
    %dma_start3A_162 = arith.constant 0 : i32
    %dma_start3A_163 = tpu.memref_slice %arg6[%dma_start3A_161, %dma_start3A_162] : memref<512x128xf32, #tpu.memory_space<vmem>> -> memref<128x128xf32, #tpu.memory_space<vmem>>
    %dma_start3A_164 = arith.constant 0 : i32
    %dma_start3A_165 = tpu.memref_slice %arg4[%add3A_160, %dma_start3A_164] : memref<16384x128xf32, #tpu.memory_space<hbm>> -> memref<128x128xf32, #tpu.memory_space<hbm>>
    %dma_start3A_166 = arith.constant 0 : i32
    %dma_start3A_167 = tpu.memref_slice %arg4[%add3A_160, %dma_start3A_166] : memref<16384x128xf32, #tpu.memory_space<hbm>> -> memref<128x128xf32, #tpu.memory_space<hbm>>
    %dma_start3A_168 = arith.constant 128 : i32
    %dma_start3A_169 = arith.constant 0 : i32
    %dma_start3A_170 = tpu.memref_slice %arg6[%dma_start3A_168, %dma_start3A_169] : memref<512x128xf32, #tpu.memory_space<vmem>> -> memref<128x128xf32, #tpu.memory_space<vmem>>
    tpu.enqueue_dma source(%dma_start3A_170 : memref<128x128xf32, #tpu.memory_space<vmem>>) target(%dma_start3A_167 : memref<128x128xf32, #tpu.memory_space<hbm>>) target_semaphore(%arg10 : memref<!tpu.dma_semaphore, #tpu.memory_space<semaphore_mem>>)
    %dma_wait3A_171 = arith.constant 2 : i32
    %dma_wait3A_172 = arith.constant 256 : i32
    %dma_wait3A_173 = arith.constant 0 : i32
    %dma_wait3A_174 = tpu.memref_slice %arg6[%dma_wait3A_172, %dma_wait3A_173] : memref<512x128xf32, #tpu.memory_space<vmem>> -> memref<128x128xf32, #tpu.memory_space<vmem>>
    %dma_wait3A_175 = arith.constant 256 : i32
    %dma_wait3A_176 = tpu.memref_slice %arg5[%dma_wait3A_175] : memref<512xi32, #tpu.memory_space<vmem>> -> memref<128xi32, #tpu.memory_space<vmem>>
    %dma_wait3A_177 = arith.constant 0 : i32
    %dma_wait3A_178 = arith.constant 0 : i32
    %dma_wait3A_179 = tpu.memref_slice %arg2[%dma_wait3A_177, %dma_wait3A_178] : memref<100000x128xf32, #tpu.memory_space<hbm>> -> memref<100000x128xf32, #tpu.memory_space<hbm>>
    %dma_wait3A_180 = tpu.memref_slice %arg9[%dma_wait3A_171] : memref<4x!tpu.dma_semaphore, #tpu.memory_space<semaphore_mem>> -> memref<1x!tpu.dma_semaphore, #tpu.memory_space<semaphore_mem>>
    %dma_wait3A_181 = tpu.memref_squeeze %dma_wait3A_180 : memref<1x!tpu.dma_semaphore, #tpu.memory_space<semaphore_mem>> -> memref<!tpu.dma_semaphore, #tpu.memory_space<semaphore_mem>>
    tpu.wait_indirect_dma semaphore(%dma_wait3A_181 : memref<!tpu.dma_semaphore, #tpu.memory_space<semaphore_mem>>) src(%dma_wait3A_179 : memref<100000x128xf32, #tpu.memory_space<hbm>>) dst(%dma_wait3A_174 : memref<128x128xf32, #tpu.memory_space<vmem>>)
    %mul3A_182 = arith.constant 2 : i32
    %mul3A_183 = arith.muli %arg1, %mul3A_182 : i32
    %add3A_184 = arith.constant 0 : i32
    %add3A_185 = arith.addi %mul3A_183, %add3A_184 : i32
    %mul3A_186 = arith.constant 128 : i32
    %mul3A_187 = arith.muli %add3A_185, %mul3A_186 : i32
    %dma_start3A_188 = arith.constant 256 : i32
    %dma_start3A_189 = arith.constant 0 : i32
    %dma_start3A_190 = tpu.memref_slice %arg6[%dma_start3A_188, %dma_start3A_189] : memref<512x128xf32, #tpu.memory_space<vmem>> -> memref<128x128xf32, #tpu.memory_space<vmem>>
    %dma_start3A_191 = arith.constant 0 : i32
    %dma_start3A_192 = tpu.memref_slice %arg7[%mul3A_187, %dma_start3A_191] : memref<4096x128xf32, #tpu.memory_space<vmem_shared>> -> memref<128x128xf32, #tpu.memory_space<vmem_shared>>
    %dma_start3A_193 = arith.constant 0 : i32
    %dma_start3A_194 = tpu.memref_slice %arg7[%mul3A_187, %dma_start3A_193] : memref<4096x128xf32, #tpu.memory_space<vmem_shared>> -> memref<128x128xf32, #tpu.memory_space<vmem_shared>>
    %dma_start3A_195 = arith.constant 256 : i32
    %dma_start3A_196 = arith.constant 0 : i32
    %dma_start3A_197 = tpu.memref_slice %arg6[%dma_start3A_195, %dma_start3A_196] : memref<512x128xf32, #tpu.memory_space<vmem>> -> memref<128x128xf32, #tpu.memory_space<vmem>>
    tpu.enqueue_dma source(%dma_start3A_197 : memref<128x128xf32, #tpu.memory_space<vmem>>) target(%dma_start3A_194 : memref<128x128xf32, #tpu.memory_space<vmem_shared>>) target_semaphore(%arg11 : memref<!tpu.dma_semaphore, #tpu.memory_space<semaphore_mem>>)
    %dma_wait3A_198 = arith.constant 3 : i32
    %dma_wait3A_199 = arith.constant 384 : i32
    %dma_wait3A_200 = arith.constant 0 : i32
    %dma_wait3A_201 = tpu.memref_slice %arg6[%dma_wait3A_199, %dma_wait3A_200] : memref<512x128xf32, #tpu.memory_space<vmem>> -> memref<128x128xf32, #tpu.memory_space<vmem>>
    %dma_wait3A_202 = arith.constant 384 : i32
    %dma_wait3A_203 = tpu.memref_slice %arg5[%dma_wait3A_202] : memref<512xi32, #tpu.memory_space<vmem>> -> memref<128xi32, #tpu.memory_space<vmem>>
    %dma_wait3A_204 = arith.constant 0 : i32
    %dma_wait3A_205 = arith.constant 0 : i32
    %dma_wait3A_206 = tpu.memref_slice %arg2[%dma_wait3A_204, %dma_wait3A_205] : memref<100000x128xf32, #tpu.memory_space<hbm>> -> memref<100000x128xf32, #tpu.memory_space<hbm>>
    %dma_wait3A_207 = tpu.memref_slice %arg9[%dma_wait3A_198] : memref<4x!tpu.dma_semaphore, #tpu.memory_space<semaphore_mem>> -> memref<1x!tpu.dma_semaphore, #tpu.memory_space<semaphore_mem>>
    %dma_wait3A_208 = tpu.memref_squeeze %dma_wait3A_207 : memref<1x!tpu.dma_semaphore, #tpu.memory_space<semaphore_mem>> -> memref<!tpu.dma_semaphore, #tpu.memory_space<semaphore_mem>>
    tpu.wait_indirect_dma semaphore(%dma_wait3A_208 : memref<!tpu.dma_semaphore, #tpu.memory_space<semaphore_mem>>) src(%dma_wait3A_206 : memref<100000x128xf32, #tpu.memory_space<hbm>>) dst(%dma_wait3A_201 : memref<128x128xf32, #tpu.memory_space<vmem>>)
    %mul3A_209 = arith.constant 2 : i32
    %mul3A_210 = arith.muli %arg1, %mul3A_209 : i32
    %add3A_211 = arith.constant 1 : i32
    %add3A_212 = arith.addi %mul3A_210, %add3A_211 : i32
    %mul3A_213 = arith.constant 128 : i32
    %mul3A_214 = arith.muli %add3A_212, %mul3A_213 : i32
    %dma_start3A_215 = arith.constant 384 : i32
    %dma_start3A_216 = arith.constant 0 : i32
    %dma_start3A_217 = tpu.memref_slice %arg6[%dma_start3A_215, %dma_start3A_216] : memref<512x128xf32, #tpu.memory_space<vmem>> -> memref<128x128xf32, #tpu.memory_space<vmem>>
    %dma_start3A_218 = arith.constant 0 : i32
    %dma_start3A_219 = tpu.memref_slice %arg7[%mul3A_214, %dma_start3A_218] : memref<4096x128xf32, #tpu.memory_space<vmem_shared>> -> memref<128x128xf32, #tpu.memory_space<vmem_shared>>
    %dma_start3A_220 = arith.constant 0 : i32
    %dma_start3A_221 = tpu.memref_slice %arg7[%mul3A_214, %dma_start3A_220] : memref<4096x128xf32, #tpu.memory_space<vmem_shared>> -> memref<128x128xf32, #tpu.memory_space<vmem_shared>>
    %dma_start3A_222 = arith.constant 384 : i32
    %dma_start3A_223 = arith.constant 0 : i32
    %dma_start3A_224 = tpu.memref_slice %arg6[%dma_start3A_222, %dma_start3A_223] : memref<512x128xf32, #tpu.memory_space<vmem>> -> memref<128x128xf32, #tpu.memory_space<vmem>>
    tpu.enqueue_dma source(%dma_start3A_224 : memref<128x128xf32, #tpu.memory_space<vmem>>) target(%dma_start3A_221 : memref<128x128xf32, #tpu.memory_space<vmem_shared>>) target_semaphore(%arg11 : memref<!tpu.dma_semaphore, #tpu.memory_space<semaphore_mem>>)
    %dma_wait3A_225 = arith.constant 256 : i32
    %dma_wait3A_226 = arith.constant 0 : i32
    %dma_wait3A_227 = tpu.memref_slice %arg6[%dma_wait3A_225, %dma_wait3A_226] : memref<512x128xf32, #tpu.memory_space<vmem>> -> memref<128x128xf32, #tpu.memory_space<vmem>>
    %dma_wait3A_228 = arith.constant 0 : i32
    %dma_wait3A_229 = tpu.memref_slice %arg7[%mul3A_187, %dma_wait3A_228] : memref<4096x128xf32, #tpu.memory_space<vmem_shared>> -> memref<128x128xf32, #tpu.memory_space<vmem_shared>>
    %dma_wait3A_230 = arith.constant 0 : i32
    %dma_wait3A_231 = tpu.memref_slice %arg7[%mul3A_187, %dma_wait3A_230] : memref<4096x128xf32, #tpu.memory_space<vmem_shared>> -> memref<128x128xf32, #tpu.memory_space<vmem_shared>>
    %dma_wait3A_232 = arith.constant 256 : i32
    %dma_wait3A_233 = arith.constant 0 : i32
    %dma_wait3A_234 = tpu.memref_slice %arg6[%dma_wait3A_232, %dma_wait3A_233] : memref<512x128xf32, #tpu.memory_space<vmem>> -> memref<128x128xf32, #tpu.memory_space<vmem>>
    tpu.wait_dma2 semaphore(%arg11 : memref<!tpu.dma_semaphore, #tpu.memory_space<semaphore_mem>>) src(%dma_wait3A_234 : memref<128x128xf32, #tpu.memory_space<vmem>>) dst(%dma_wait3A_231 : memref<128x128xf32, #tpu.memory_space<vmem_shared>>)
    %mul3A_235 = arith.constant 2 : i32
    %mul3A_236 = arith.muli %arg1, %mul3A_235 : i32
    %add3A_237 = arith.constant 0 : i32
    %add3A_238 = arith.addi %mul3A_236, %add3A_237 : i32
    %mul3A_239 = arith.constant 128 : i32
    %mul3A_240 = arith.muli %add3A_238, %mul3A_239 : i32
    %add3A_241 = arith.constant 256 : i32
    %add3A_242 = arith.addi %mul3A_2, %add3A_241 : i32
    %dma_start3A_243 = arith.constant 0 : i32
    %dma_start3A_244 = tpu.memref_slice %arg4[%add3A_242, %dma_start3A_243] : memref<16384x128xf32, #tpu.memory_space<hbm>> -> memref<128x128xf32, #tpu.memory_space<hbm>>
    %dma_start3A_245 = arith.constant 0 : i32
    %dma_start3A_246 = tpu.memref_slice %arg7[%mul3A_240, %dma_start3A_245] : memref<4096x128xf32, #tpu.memory_space<vmem_shared>> -> memref<128x128xf32, #tpu.memory_space<vmem_shared>>
    tpu.enqueue_dma source(%dma_start3A_246 : memref<128x128xf32, #tpu.memory_space<vmem_shared>>) target(%dma_start3A_244 : memref<128x128xf32, #tpu.memory_space<hbm>>) target_semaphore(%arg10 : memref<!tpu.dma_semaphore, #tpu.memory_space<semaphore_mem>>)
    %dma_wait3A_247 = arith.constant 384 : i32
    %dma_wait3A_248 = arith.constant 0 : i32
    %dma_wait3A_249 = tpu.memref_slice %arg6[%dma_wait3A_247, %dma_wait3A_248] : memref<512x128xf32, #tpu.memory_space<vmem>> -> memref<128x128xf32, #tpu.memory_space<vmem>>
    %dma_wait3A_250 = arith.constant 0 : i32
    %dma_wait3A_251 = tpu.memref_slice %arg7[%mul3A_214, %dma_wait3A_250] : memref<4096x128xf32, #tpu.memory_space<vmem_shared>> -> memref<128x128xf32, #tpu.memory_space<vmem_shared>>
    %dma_wait3A_252 = arith.constant 0 : i32
    %dma_wait3A_253 = tpu.memref_slice %arg7[%mul3A_214, %dma_wait3A_252] : memref<4096x128xf32, #tpu.memory_space<vmem_shared>> -> memref<128x128xf32, #tpu.memory_space<vmem_shared>>
    %dma_wait3A_254 = arith.constant 384 : i32
    %dma_wait3A_255 = arith.constant 0 : i32
    %dma_wait3A_256 = tpu.memref_slice %arg6[%dma_wait3A_254, %dma_wait3A_255] : memref<512x128xf32, #tpu.memory_space<vmem>> -> memref<128x128xf32, #tpu.memory_space<vmem>>
    tpu.wait_dma2 semaphore(%arg11 : memref<!tpu.dma_semaphore, #tpu.memory_space<semaphore_mem>>) src(%dma_wait3A_256 : memref<128x128xf32, #tpu.memory_space<vmem>>) dst(%dma_wait3A_253 : memref<128x128xf32, #tpu.memory_space<vmem_shared>>)
    %mul3A_257 = arith.constant 2 : i32
    %mul3A_258 = arith.muli %arg1, %mul3A_257 : i32
    %add3A_259 = arith.constant 1 : i32
    %add3A_260 = arith.addi %mul3A_258, %add3A_259 : i32
    %mul3A_261 = arith.constant 128 : i32
    %mul3A_262 = arith.muli %add3A_260, %mul3A_261 : i32
    %add3A_263 = arith.constant 384 : i32
    %add3A_264 = arith.addi %mul3A_2, %add3A_263 : i32
    %dma_start3A_265 = arith.constant 0 : i32
    %dma_start3A_266 = tpu.memref_slice %arg4[%add3A_264, %dma_start3A_265] : memref<16384x128xf32, #tpu.memory_space<hbm>> -> memref<128x128xf32, #tpu.memory_space<hbm>>
    %dma_start3A_267 = arith.constant 0 : i32
    %dma_start3A_268 = tpu.memref_slice %arg7[%mul3A_262, %dma_start3A_267] : memref<4096x128xf32, #tpu.memory_space<vmem_shared>> -> memref<128x128xf32, #tpu.memory_space<vmem_shared>>
    tpu.enqueue_dma source(%dma_start3A_268 : memref<128x128xf32, #tpu.memory_space<vmem_shared>>) target(%dma_start3A_266 : memref<128x128xf32, #tpu.memory_space<hbm>>) target_semaphore(%arg10 : memref<!tpu.dma_semaphore, #tpu.memory_space<semaphore_mem>>)
    %dma_wait3A_269 = arith.constant 0 : i32
    %dma_wait3A_270 = arith.constant 0 : i32
    %dma_wait3A_271 = tpu.memref_slice %arg6[%dma_wait3A_269, %dma_wait3A_270] : memref<512x128xf32, #tpu.memory_space<vmem>> -> memref<128x128xf32, #tpu.memory_space<vmem>>
    %dma_wait3A_272 = arith.constant 0 : i32
    %dma_wait3A_273 = tpu.memref_slice %arg4[%add3A_137, %dma_wait3A_272] : memref<16384x128xf32, #tpu.memory_space<hbm>> -> memref<128x128xf32, #tpu.memory_space<hbm>>
    %dma_wait3A_274 = arith.constant 0 : i32
    %dma_wait3A_275 = tpu.memref_slice %arg4[%add3A_137, %dma_wait3A_274] : memref<16384x128xf32, #tpu.memory_space<hbm>> -> memref<128x128xf32, #tpu.memory_space<hbm>>
    %dma_wait3A_276 = arith.constant 0 : i32
    %dma_wait3A_277 = arith.constant 0 : i32
    %dma_wait3A_278 = tpu.memref_slice %arg6[%dma_wait3A_276, %dma_wait3A_277] : memref<512x128xf32, #tpu.memory_space<vmem>> -> memref<128x128xf32, #tpu.memory_space<vmem>>
    tpu.wait_dma2 semaphore(%arg10 : memref<!tpu.dma_semaphore, #tpu.memory_space<semaphore_mem>>) src(%dma_wait3A_278 : memref<128x128xf32, #tpu.memory_space<vmem>>) dst(%dma_wait3A_275 : memref<128x128xf32, #tpu.memory_space<hbm>>)
    %dma_wait3A_279 = arith.constant 128 : i32
    %dma_wait3A_280 = arith.constant 0 : i32
    %dma_wait3A_281 = tpu.memref_slice %arg6[%dma_wait3A_279, %dma_wait3A_280] : memref<512x128xf32, #tpu.memory_space<vmem>> -> memref<128x128xf32, #tpu.memory_space<vmem>>
    %dma_wait3A_282 = arith.constant 0 : i32
    %dma_wait3A_283 = tpu.memref_slice %arg4[%add3A_160, %dma_wait3A_282] : memref<16384x128xf32, #tpu.memory_space<hbm>> -> memref<128x128xf32, #tpu.memory_space<hbm>>
    %dma_wait3A_284 = arith.constant 0 : i32
    %dma_wait3A_285 = tpu.memref_slice %arg4[%add3A_160, %dma_wait3A_284] : memref<16384x128xf32, #tpu.memory_space<hbm>> -> memref<128x128xf32, #tpu.memory_space<hbm>>
    %dma_wait3A_286 = arith.constant 128 : i32
    %dma_wait3A_287 = arith.constant 0 : i32
    %dma_wait3A_288 = tpu.memref_slice %arg6[%dma_wait3A_286, %dma_wait3A_287] : memref<512x128xf32, #tpu.memory_space<vmem>> -> memref<128x128xf32, #tpu.memory_space<vmem>>
    tpu.wait_dma2 semaphore(%arg10 : memref<!tpu.dma_semaphore, #tpu.memory_space<semaphore_mem>>) src(%dma_wait3A_288 : memref<128x128xf32, #tpu.memory_space<vmem>>) dst(%dma_wait3A_285 : memref<128x128xf32, #tpu.memory_space<hbm>>)
    %dma_wait3A_289 = arith.constant 0 : i32
    %dma_wait3A_290 = tpu.memref_slice %arg4[%add3A_242, %dma_wait3A_289] : memref<16384x128xf32, #tpu.memory_space<hbm>> -> memref<128x128xf32, #tpu.memory_space<hbm>>
    %dma_wait3A_291 = arith.constant 0 : i32
    %dma_wait3A_292 = tpu.memref_slice %arg7[%mul3A_240, %dma_wait3A_291] : memref<4096x128xf32, #tpu.memory_space<vmem_shared>> -> memref<128x128xf32, #tpu.memory_space<vmem_shared>>
    tpu.wait_dma2 semaphore(%arg10 : memref<!tpu.dma_semaphore, #tpu.memory_space<semaphore_mem>>) src(%dma_wait3A_292 : memref<128x128xf32, #tpu.memory_space<vmem_shared>>) dst(%dma_wait3A_290 : memref<128x128xf32, #tpu.memory_space<hbm>>)
    %dma_wait3A_293 = arith.constant 0 : i32
    %dma_wait3A_294 = tpu.memref_slice %arg4[%add3A_264, %dma_wait3A_293] : memref<16384x128xf32, #tpu.memory_space<hbm>> -> memref<128x128xf32, #tpu.memory_space<hbm>>
    %dma_wait3A_295 = arith.constant 0 : i32
    %dma_wait3A_296 = tpu.memref_slice %arg7[%mul3A_262, %dma_wait3A_295] : memref<4096x128xf32, #tpu.memory_space<vmem_shared>> -> memref<128x128xf32, #tpu.memory_space<vmem_shared>>
    tpu.wait_dma2 semaphore(%arg10 : memref<!tpu.dma_semaphore, #tpu.memory_space<semaphore_mem>>) src(%dma_wait3A_296 : memref<128x128xf32, #tpu.memory_space<vmem_shared>>) dst(%dma_wait3A_294 : memref<128x128xf32, #tpu.memory_space<hbm>>)
    return
  }
}

</mosaic_0001>

<sc_bundles>
// kernel: kernel.3.cloned.1.call-start
scs
__scs_entry_jumppad:
0x0: {  	(pc) =	sbr.rel $0x88, $3  }
0x1: {  	(tag) =	ssettag $0x0;
	lr =	simm.s32 $0x1  }
0x2: {  	[smem:$0x3F9F] =	sst lr;
	_ =	strace $0xD0000000  }
0x3: {  	_ = 	snop  }
0x4: {  	_ = 	snop  }
0x5: {  	_ = 	snop  }
0x6: {  	_ = 	snop  }
0x7: {  	_ = 	snop  }
__scs_overlays_trampoline_lowered:
0x8: {  	[smem:$0x3FAE] =	sst s0  }
0x9: {  	[smem:$0x3FAF] =	sst s1  }
0xa: {  	[smem:$0x3FB0] =	sst s2  }
0xb: {  	[smem:$0x3FB1] =	sst s3  }
0xc: {  	[smem:$0x3FB2] =	sst s4  }
0xd: {  	[smem:$0x3FB3] =	sst s5  }
0xe: {  	[smem:$0x3FB4] =	sst s6  }
0xf: {  	[smem:$0x3FB5] =	sst s7  }
0x10: {  	[smem:$0x3FB6] =	sst s8  }
0x11: {  	[smem:$0x3FB7] =	sst s9;
	s0 =	simm.s32 @!p0 $0x0  }
0x12: {  	s1 =	sld [smem:$0x3F9D];
	s0 =	simm.s32 @p0 $0x1  }
0x13: {  	[smem:$0x3FB8] =	sst s0;
	s0 =	simm.s32 @!p1 $0x0  }
0x14: {  	s2 =	sld [smem:$0x3F9C];
	s0 =	simm.s32 @p1 $0x1  }
0x15: {  	[smem:$0x3FB9] =	sst s0;
	s0 =	simm.s32 @!p2 $0x0  }
0x16: {  	s3 =	sld [smem:$0x3FDB];
	s0 =	simm.s32 @p2 $0x1  }
0x17: {  	s4 =	simm.s32 $0x1BF5;
	[smem:$0x3FBB] =	sst s0  }
0x18: {  	s0 =	sld [smem:$0x3F9E];
	_ =	swait.ge [sflag:s4], $0x0  }
0x19: {  	s7 =	sld [smem:$0x3F9F]  }
0x1a: {  	s8 =	sadd.s32 $0xFFFFE003, lr  }
0x1b: {  	s9 =	sadd.s32 $0xFFFFFEF7, lr;
	s5 =	simm.s32 $0xFFFFFFFF;
	p2 =	slt.u32 s8, $0xFFFFF086  }
0x1c: {  	p1 =	slt.u32 s9, $0xF7A;
	s5 =	simm.s32 @!p2 $0x0  }
0x1d: {  	s5 =	simm.s32 @p1 $0x1;
	p0 =	seq.s32 s7, s2  }
0x1e: {  	s7 =	smul.u32 @!p0 $0xF7A, s2;
	p2 =	seq.s32 @!p0 s5, $0x0  }
0x1f: {  	s9 =	smul.u32 $0xF7A, s1;
	s8 =	simm.s32 @!p0 $0x1BF5;
	p2 =	por !p2, p0  }
0x20: {  	[sflag:s8] =	ssyncset.s32 @!p0 $0xFFFFF086;
	s6 =	sadd.s32 @!p0 s3, s7;
	s7 =	simm.s32 @!p0 $0x108  }
0x21: {  	s3 =	sadd.s32 s3, s9;
	s6 =	sadd.s32 @!p0 $0x88, s6;
	s7 =	simm.s32 @p2 $0x1082  }
0x22: {  	[simem:s7], [sflag:s8] =	dma.local @!p0 [hbm:s6], $0xF7A  }
0x23: {  	s9 =	sor.u32 $0xD0000000, s2;
	s6 =	simm.s32 $0x108;
	_ =	swait.ge @!p0 [sflag:s8], $0x0  }
0x24: {  	s3 =	sadd.s32 $0x88, s3;
	s6 =	simm.s32 @!p1 $0x1082;
	[sflag:s4] =	ssyncset.s32 $0xFFFFF086  }
0x25: {  	[simem:s6], [sflag:s4] =	dma.local [hbm:s3], $0xF7A  }
0x26: {  	[smem:$0x3F9F] =	sst s1;
	(tag) =	ssettag s2;
	_ =	strace s9  }
0x27: {  	s1 =	sld [smem:$0x3FAF]  }
0x28: {  	s2 =	sld [smem:$0x3FB0]  }
0x29: {  	s4 =	sld [smem:$0x3FB2]  }
0x2a: {  	p0 =	seq.s32 s5, $0x0;
	s5 =	sld [smem:$0x3FB3]  }
0x2b: {  	s6 =	sld [smem:$0x3FB4]  }
0x2c: {  	s7 =	sld [smem:$0x3FB5]  }
0x2d: {  	s3 =	simm.s32 $0x108;
	s8 =	sld [smem:$0x3FB6]  }
0x2e: {  	s3 =	simm.s32 @!p0 $0x1082;
	s9 =	sld [smem:$0x3FB7]  }
0x2f: {  	lr =	sadd.s32 s0, s3;
	s0 =	sld [smem:$0x3FAE]  }
0x30: {  	s3 =	sld [smem:$0x3FB1]  }
0x31: {  	[smem:$0x3FBA] =	sst s10  }
0x32: {  	s10 =	sld [smem:$0x3FB8];
	_ =	sdelay $0x3  }
0x33: {  	p0 =	seq.s32 s10, $0x1;
	s10 =	sld [smem:$0x3FBA];
	_ =	sdelay $0x3  }
0x34: {  	[smem:$0x3FBA] =	sst s10  }
0x35: {  	s10 =	sld [smem:$0x3FB9];
	_ =	sdelay $0x3  }
0x36: {  	p1 =	seq.s32 s10, $0x1;
	s10 =	sld [smem:$0x3FBA];
	_ =	sdelay $0x3  }
0x37: {  	[smem:$0x3FBA] =	sst s10  }
0x38: {  	s10 =	sld [smem:$0x3FBB]  }
0x39: {  	_ = 	snop;
	(pc) =	sbr.ind lr, $3  }
0x3a: {  	_ = 	snop  }
0x3b: {  	_ = 	snop  }
0x3c: {  	p2 =	seq.s32 s10, $0x1;
	s10 =	sld [smem:$0x3FBA]  }
0x3d: {  	_ =	shalt  }
0x3e: {  	_ =	shalt  }
0x3f: {  	_ =	shalt  }
0x40: {  	_ =	shalt  }
0x41: {  	_ =	shalt  }
0x42: {  	_ =	shalt  }
0x43: {  	_ =	shalt  }
0x44: {  	_ =	shalt  }
0x45: {  	_ =	shalt  }
0x46: {  	_ =	shalt  }
0x47: {  	_ =	shalt  }
0x48: {  	_ =	shalt  }
0x49: {  	_ =	shalt  }
0x4a: {  	_ =	shalt  }
0x4b: {  	_ =	shalt  }
0x4c: {  	_ =	shalt  }
0x4d: {  	_ =	shalt  }
0x4e: {  	_ =	shalt  }
0x4f: {  	_ =	shalt  }
0x50: {  	_ =	shalt  }
0x51: {  	_ =	shalt  }
0x52: {  	_ =	shalt  }
0x53: {  	_ =	shalt  }
0x54: {  	_ =	shalt  }
0x55: {  	_ =	shalt  }
0x56: {  	_ =	shalt  }
0x57: {  	_ =	shalt  }
0x58: {  	_ =	shalt  }
0x59: {  	_ =	shalt  }
0x5a: {  	_ =	shalt  }
0x5b: {  	_ =	shalt  }
0x5c: {  	_ =	shalt  }
0x5d: {  	_ =	shalt  }
0x5e: {  	_ =	shalt  }
0x5f: {  	_ =	shalt  }
0x60: {  	_ =	shalt  }
0x61: {  	_ =	shalt  }
0x62: {  	_ =	shalt  }
0x63: {  	_ =	shalt  }
0x64: {  	_ =	shalt  }
0x65: {  	_ =	shalt  }
0x66: {  	_ =	shalt  }
0x67: {  	_ =	shalt  }
0x68: {  	_ =	shalt  }
0x69: {  	_ =	shalt  }
0x6a: {  	_ =	shalt  }
0x6b: {  	_ =	shalt  }
0x6c: {  	_ =	shalt  }
0x6d: {  	_ =	shalt  }
0x6e: {  	_ =	shalt  }
0x6f: {  	_ =	shalt  }
0x70: {  	_ =	shalt  }
0x71: {  	_ =	shalt  }
0x72: {  	_ =	shalt  }
0x73: {  	_ =	shalt  }
0x74: {  	_ =	shalt  }
0x75: {  	_ =	shalt  }
0x76: {  	_ =	shalt  }
0x77: {  	_ =	shalt  }
0x78: {  	_ =	shalt  }
0x79: {  	_ =	shalt  }
0x7a: {  	_ =	shalt  }
0x7b: {  	_ =	shalt  }
0x7c: {  	_ =	shalt  }
0x7d: {  	_ =	shalt  }
0x7e: {  	_ =	shalt  }
0x7f: {  	_ =	shalt  }
0x80: {  	_ =	shalt  }
0x81: {  	_ =	shalt  }
0x82: {  	_ =	shalt  }
0x83: {  	_ =	shalt  }
0x84: {  	_ =	shalt  }
0x85: {  	_ =	shalt  }
0x86: {  	_ =	shalt  }
0x87: {  	_ =	shalt  }
.Lfunc_end0:
.L_simem_size_0:
called_computation_lowered:
.L_overlay_start_0:
0x88: {  	s2 =	sld [smem:$0x3FD9]  }
0x89: {  	s3 =	sld [smem:$0x3FFE];
	_ =	sdelay $0x1  }
0x8a: {  	s1 =	srdreg.scid  }
0x8b: {  	s0 =	sand.u32 $0x1, s1  }
0x8c: {  	s18 =	sshll.u32 s0, $0xA;
	s2 =	sadd.s32 s3, s2  }
0x8d: {  	s2 =	sadd.s32 s2, s18  }
0x8e: {  	[smem:$0x3FC6] =	sst s2  }
0x8f: {  	_ = 	snop  }
0x90: {  	s2 =	sld [smem:$0x3FC9]  }
0x91: {  	s19 =	sld [smem:$0x3FC8]  }
0x92: {  	s4 =	sld [smem:$0x3FD0];
	(tm) =	ssettm $0x1  }
0x93: {  	s5 =	sld [smem:$0x3FFB];
	_ =	sdelay $0x3  }
0x94: {  	_ =	strace s5  }
0x95: {  	s5 =	sld [smem:$0x3FFC];
	_ =	sdelay $0x3  }
0x96: {  	_ =	strace s5  }
0x97: {  	s5 =	sld [smem:$0x3FFD];
	_ =	sdelay $0x3  }
0x98: {  	_ =	strace s5  }
0x99: {  	_ =	strace $0x8FFFFFFF  }
0x9a: {  	s20 =	sld [smem:$0x3FDB];
	_ =	sdelay $0x1  }
0x9b: {  	s6 =	simm.s32 $_scs_section_size  }
0x9c: {  	s7 =	simm.s32 $_size__tile_overlayer_lowered;
	s8 =	simm.s32 $_tile_overlayer_lowered  }
0x9d: {  	s23 =	simm.s32 $0x1BFF;
	s22 =	sshll.u32 s8, $0x1;
	s5 =	sadd.s32 s6, s20  }
0x9e: {  	s9 =	simm.s32 $0x0;
	s21 =	sshll.u32 s7, $0x1;
	s7 =	sadd.s32 s22, s5  }
0x9f: {  	[timem:s9], [sflag:s23] =	dma.local [hbm:s7], s21  }
0xa0: {  	_ =	swait.ge [sflag:s23], s21  }
0xa1: {  	s6 =	ssub.s32 $0x0, s21;
	[sflag:s23] =	ssyncset.done $0x0  }
0xa2: {  	[sflag:s23] =	ssyncadd.s32 s6;
	_ =	sdelay $0x1  }
0xa3: {  	s24 =	simm.s32 $0x1B8B  }
0xa4: {  	_ =	swait.ge [sflag:s24], $0x1  }
0xa5: {  	[sflag:s24] =	ssyncset.done $0x0  }
0xa6: {  	s25 =	simm.s32 $0x1B8E;
	[sflag:s24] =	ssyncadd.s32 $0xFFFFFFFF  }
0xa7: {  	s26 =	simm.s32 $execute0_lowered;
	[smem:$0x3FD2] =	sst s25  }
0xa8: {  	s6 =	sshll.u32 s26, $0x1;
	_ =	strace $0x80000046;
	[dreg:$0x1] =	wrdreg $0xFFFFFFFF  }
0xa9: {  	s28 =	simm.s32 $_size_execute0_lowered;
	s5 =	sadd.s32 s5, s6;
	[dreg:$0x0] =	wrdreg $0x0  }
0xaa: {  	s6 =	sshll.u32 s28, $0x1;
	[dreg:$0x2] =	wrdreg s5  }
0xab: {  	[dreg:$0x3] =	wrdreg s6  }
0xac: {  	[dreg:$0x4] =	wrdreg $0xC0  }
0xad: {  	_ =	task [dreg:s9], $0x5FFFF  }
0xae: {  	[dreg:$0x1] =	wrdreg $0xFFFFFFFF  }
0xaf: {  	[dreg:$0x0] =	wrdreg $0x60  }
0xb0: {  	[dreg:$0x2] =	wrdreg s2  }
0xb1: {  	[dreg:$0x3] =	wrdreg s19  }
0xb2: {  	[dreg:$0x4] =	wrdreg s4  }
0xb3: {  	[dreg:$0x5] =	wrdreg $0x102000  }
0xb4: {  	[dreg:$0x6] =	wrdreg $0x9  }
0xb5: {  	_ =	task.clear_ibuf [dreg:s9], $0x7FFFF;
	_ =	strace $0x90000046  }
0xb6: {  	s29 =	simm.s32 $0x9;
	_ =	strace $0x80000048  }
0xb7: {  	_ =	swait.ge [sflag:s29], $0x1  }
0xb8: {  	[sflag:s29] =	ssyncadd.s32 $0xFFFFFFFF  }
0xb9: {  	_ =	strace $0x90000048  }
0xba: {  	_ =	sfence  }
0xbb: {  	s30 =	sld [smem:$0x0];
	_ =	sdelay $0x2  }
0xbc: {  	s31 =	sshll.u32 s1, $0xD;
	s1 =	sshrl.u32 s1, $0x2  }
0xbd: {  	s3 =	sand.u32 $0x4000, s31;
	s1 =	sadd.s32 s1, s30  }
0xbe: {  	s0 =	sor.u32 s3, s0;
	s1 =	sshll.u32 s1, $0x11  }
0xbf: {  	s0 =	sor.u32 s1, s0  }
0xc0: {  	s0 =	sadd.s32 $0x8F2B, s0  }
0xc1: {  	[sflag:s0] =	ssyncadd.remote.s32 $0x1  }
0xc2: {  	_ =	sfence.sel $0xFFFF  }
0xc3: {  	[dreg:$0x0] =	wrdreg $0xFFFFFFFF;
	(pc) =	sbr.abs _section_cstart, $3  }
0xc4: {  	[dreg:$0x1] =	wrdreg $0xFFFFFFFF  }
0xc5: {  	_ =	task.clear_ibuf [dreg:s9], $0x2FFFF;
	_ =	strace $0x9FFFFFFF  }
0xc6: {  	(tm) =	ssettm $0x7FFFFFFF  }
0xc7: {  	_ =	shalt  }
tec
execute0_lowered:
.L_overlay_start_1:
0x0: {  	(tag) =	ssettag $0x1  }
0x1: {  	s2 =	rddreg [dreg:$0x0]  }
0x2: {  	s4 =	rddreg [dreg:$0x1]  }
0x3: {  	s26 =	rddreg [dreg:$0x2];
	s1 =	srdreg.scid  }
0x4: {  	s0 =	stileid.u32;
	s19 =	rddreg [dreg:$0x3]  }
0x5: {  	s3 =	simm.s32 $0x0;
	s30 =	sand.u32 $0x1, s1;
	s5 =	sshll.u32 s0, $0x1  }
0x6: {  	[smem:$0x7FF] =	sst s3;
	s5 =	sor.u32 s30, s5  }
0x7: {  	_ =	strace $0x80000047;
	s6 =	sshll.u32 s5, $0x9;
	s7 =	sshll.u32 s5, $0x6  }
0x8: {  	s5 =	sshll.u32 s5, $0xD;
	s17 =	sor.u32 $0x80, s6;
	s7 =	sadd.s32 s4, s7  }
0x9: {  	s23 =	sor.u32 $0x100, s6;
	s25 =	sadd.s32 s26, s5;
	[dreg:$0x5] =	wrdreg s7  }
0xa: {  	s28 =	sor.u32 $0x180, s6;
	s8 =	sshrl.u32 s17, $0x3;
	[dreg:$0x9] =	wrdreg s25  }
0xb: {  	s18 =	sshrl.u32 s23, $0x3;
	s16 =	sadd.s32 s4, s8;
	s21 =	rddreg [dreg:$0x5]  }
0xc: {  	s6 =	sshrl.u32 s28, $0x3;
	s20 =	sadd.s32 s4, s18;
	[dreg:$0x6] =	wrdreg s16  }
0xd: {  	s4 =	sadd.s32 s4, s6;
	[dreg:$0x7] =	wrdreg s20  }
0xe: {  	[dreg:$0x8] =	wrdreg s4  }
0xf: {  	[tilespmem:s3], [sflag:$0x1] =	stream.linear.gather [hbm4b:s21+s3], $0x80, $0x38;
	[tilespmem:$0x18200] =	vst v63  }
0x10: {  	s4 =	simm.s32 $0x80;
	s22 =	rddreg [dreg:$0x6]  }
0x11: {  	[tilespmem:s4], [sflag:$0x2] =	stream.linear.gather [hbm4b:s22+s3], $0x80, $0x38;
	[tilespmem:$0x18200] =	vst v63  }
0x12: {  	s5 =	simm.s32 $0x100;
	s24 =	rddreg [dreg:$0x7]  }
0x13: {  	[tilespmem:s5], [sflag:$0x3] =	stream.linear.gather [hbm4b:s24+s3], $0x80, $0x38;
	[tilespmem:$0x18200] =	vst v63  }
0x14: {  	s7 =	simm.s32 $0x1;
	s6 =	simm.s32 $0x180;
	s31 =	rddreg [dreg:$0x8]  }
0x15: {  	[tilespmem:s6], [sflag:$0x4] =	stream.linear.gather [hbm4b:s31+s3], $0x80, $0x38;
	[tilespmem:$0x18200] =	vst v63  }
0x16: {  	_ =	swait.ge [sflag:s7], $0x80  }
0x17: {  	[sflag:s7] =	ssyncset.done $0x0  }
0x18: {  	s9 =	simm.s32 $0x2;
	s8 =	simm.s32 $0x200;
	[sflag:s7] =	ssyncadd.s32 $0xFFFFFF80  }
0x19: {  	[tilespmem:s8], [sflag:$0x5] =	stream.indirect.gather [hbm4b:s2+s4], $0x80, s3, s4, $0xb8;
	[tilespmem:$0x18200] =	vst v63  }
0x1a: {  	_ =	swait.ge [sflag:s9], $0x80  }
0x1b: {  	[sflag:s9] =	ssyncset.done $0x0  }
0x1c: {  	s10 =	simm.s32 $0x4200;
	s11 =	simm.s32 $0x3;
	[sflag:s9] =	ssyncadd.s32 $0xFFFFFF80  }
0x1d: {  	[tilespmem:s10], [sflag:$0x6] =	stream.indirect.gather [hbm4b:s2+s4], $0x80, s4, s4, $0xb8;
	[tilespmem:$0x18200] =	vst v63  }
0x1e: {  	_ =	swait.ge [sflag:s11], $0x80  }
0x1f: {  	[sflag:s11] =	ssyncset.done $0x0  }
0x20: {  	s12 =	simm.s32 $0x8200;
	s13 =	simm.s32 $0x4;
	[sflag:s11] =	ssyncadd.s32 $0xFFFFFF80  }
0x21: {  	[tilespmem:s12], [sflag:$0x7] =	stream.indirect.gather [hbm4b:s2+s4], $0x80, s5, s4, $0xb8;
	[tilespmem:$0x18200] =	vst v63  }
0x22: {  	_ =	swait.ge [sflag:s13], $0x80  }
0x23: {  	[sflag:s13] =	ssyncset.done $0x0  }
0x24: {  	s14 =	simm.s32 $0xC200;
	s15 =	simm.s32 $0x5;
	[sflag:s13] =	ssyncadd.s32 $0xFFFFFF80  }
0x25: {  	[tilespmem:s14], [sflag:$0x8] =	stream.indirect.gather [hbm4b:s2+s4], $0x80, s6, s4, $0xb8;
	[tilespmem:$0x18200] =	vst v63  }
0x26: {  	_ =	swait.ge [sflag:s15], $0x4000  }
0x27: {  	[sflag:s15] =	ssyncset.done $0x0  }
0x28: {  	s16 =	simm.s32 $0x6;
	s18 =	rddreg [dreg:$0x9];
	[sflag:s15] =	ssyncadd.s32 $0xFFFFC000  }
0x29: {  	[hbm4b:s18+s3] =	stream.linear.scatter [tilespmem:s8], [sflag:$0x9], $0x4000, $0x38;
	[tilespmem:$0x18200] =	vst v63  }
0x2a: {  	_ =	swait.ge [sflag:s16], $0x4000  }
0x2b: {  	s17 =	sshll.u32 s17, $0x4;
	[sflag:s16] =	ssyncset.done $0x0  }
0x2c: {  	s17 =	sadd.s32 s26, s17;
	s18 =	simm.s32 $0x7;
	[sflag:s16] =	ssyncadd.s32 $0xFFFFC000  }
0x2d: {  	[hbm4b:s17+s3] =	stream.linear.scatter [tilespmem:s10], [sflag:$0x9], $0x4000, $0x38;
	[tilespmem:$0x18200] =	vst v63  }
0x2e: {  	_ =	swait.ge [sflag:s18], $0x4000  }
0x2f: {  	s20 =	sshll.u32 s0, $0xF;
	[sflag:s18] =	ssyncset.done $0x0  }
0x30: {  	s19 =	sadd.s32 s20, s19;
	s20 =	simm.s32 $0x8;
	[sflag:s18] =	ssyncadd.s32 $0xFFFFC000  }
0x31: {  	[spmem:s19] =	stream.linear.scatter [tilespmem:s12], [sflag:$0xA], $0x4000, $0x38;
	[tilespmem:$0x18200] =	vst v63  }
0x32: {  	_ =	swait.ge [sflag:s20], $0x4000  }
0x33: {  	[sflag:s20] =	ssyncset.done $0x0  }
0x34: {  	s21 =	sadd.s32 $0x4000, s19;
	s22 =	simm.s32 $0xA;
	[sflag:s20] =	ssyncadd.s32 $0xFFFFC000  }
0x35: {  	[spmem:s21] =	stream.linear.scatter [tilespmem:s14], [sflag:$0xA], $0x4000, $0x38;
	[tilespmem:$0x18200] =	vst v63  }
0x36: {  	s23 =	sshll.u32 s23, $0x4;
	_ =	swait.ge [sflag:s22], $0x4000  }
0x37: {  	s23 =	sadd.s32 s26, s23;
	s24 =	sshll.u32 s0, $0x6;
	[sflag:s22] =	ssyncset.done $0x0  }
0x38: {  	s25 =	sshrl.u32 s19, $0x3;
	s24 =	sor.u32 $0x1C09, s24;
	[sflag:s22] =	ssyncadd.s32 $0xFFFFC000  }
0x39: {  	[hbm:s23], [sflag:s24] =	dma.local [spmem:s25], $0x800  }
0x3a: {  	s28 =	sshll.u32 s28, $0x4;
	_ =	swait.ge [sflag:s22], $0x4000  }
0x3b: {  	s26 =	sadd.s32 s26, s28;
	[sflag:s22] =	ssyncset.done $0x0  }
0x3c: {  	s28 =	simm.s32 $0x9;
	s29 =	sshrl.u32 s21, $0x3;
	[sflag:s22] =	ssyncadd.s32 $0xFFFFC000  }
0x3d: {  	[hbm:s26], [sflag:s24] =	dma.local [spmem:s29], $0x800  }
0x3e: {  	s30 =	ssub.s32 $0x2, s30;
	_ =	swait.ge [sflag:s28], $0x4000  }
0x3f: {  	s31 =	sshrl.u32 s30, $0x1;
	[sflag:s28] =	ssyncset.done $0x0  }
0x40: {  	s30 =	ssub.s32 s30, s31;
	[sflag:s28] =	ssyncadd.s32 $0xFFFFC000  }
0x41: {  	s30 =	smax.u32 s30, $0x1;
	_ =	swait.ge [sflag:s28], $0x4000  }
0x42: {  	p0 =	sne.s32 s30, $0x1;
	[sflag:s28] =	ssyncset.done $0x0  }
.Ltmp0:
0x43: {  	[sflag:s28] =	ssyncadd.s32 $0xFFFFC000;
	(pc) =	sbr.rel @!p0 .LBB2_2-.Ltmp0, $4  }
0x44: {  	_ =	swait.ge [sflag:s28], $0x800  }
0x45: {  	[sflag:s28] =	ssyncset.done $0x0  }
0x46: {  	[sflag:s28] =	ssyncadd.s32 $0xFFFFF800  }
0x47: {  	s30 =	sadd.s32 $0xFFFFFFFF, s30;
	_ =	swait.ge [sflag:s28], $0x800  }
.LBB2_1:
0x48: {  	[sflag:s28] =	ssyncset.done $0x0  }
0x49: {  	s31 =	rddreg [dreg:$0x5];
	[sflag:s28] =	ssyncadd.s32 $0xFFFFF800  }
0x4a: {  	[tilespmem:s3], [sflag:$0x1] =	stream.linear.gather [hbm4b:s31+s3], $0x80, $0x38;
	[tilespmem:$0x18200] =	vst v63  }
0x4b: {  	s1 =	rddreg [dreg:$0x6]  }
0x4c: {  	[tilespmem:s4], [sflag:$0x2] =	stream.linear.gather [hbm4b:s1+s3], $0x80, $0x38;
	[tilespmem:$0x18200] =	vst v63  }
0x4d: {  	s31 =	rddreg [dreg:$0x7]  }
0x4e: {  	[tilespmem:s5], [sflag:$0x3] =	stream.linear.gather [hbm4b:s31+s3], $0x80, $0x38;
	[tilespmem:$0x18200] =	vst v63  }
0x4f: {  	s1 =	rddreg [dreg:$0x8]  }
0x50: {  	[tilespmem:s6], [sflag:$0x4] =	stream.linear.gather [hbm4b:s1+s3], $0x80, $0x38;
	[tilespmem:$0x18200] =	vst v63  }
0x51: {  	_ =	swait.ge [sflag:s7], $0x80  }
0x52: {  	[sflag:s7] =	ssyncset.done $0x0  }
0x53: {  	[sflag:s7] =	ssyncadd.s32 $0xFFFFFF80  }
0x54: {  	[tilespmem:s8], [sflag:$0x5] =	stream.indirect.gather [hbm4b:s2+s4], $0x80, s3, s4, $0xb8;
	[tilespmem:$0x18200] =	vst v63  }
0x55: {  	_ =	swait.ge [sflag:s9], $0x80  }
0x56: {  	[sflag:s9] =	ssyncset.done $0x0  }
0x57: {  	[sflag:s9] =	ssyncadd.s32 $0xFFFFFF80  }
0x58: {  	[tilespmem:s10], [sflag:$0x6] =	stream.indirect.gather [hbm4b:s2+s4], $0x80, s4, s4, $0xb8;
	[tilespmem:$0x18200] =	vst v63  }
0x59: {  	_ =	swait.ge [sflag:s11], $0x80  }
0x5a: {  	[sflag:s11] =	ssyncset.done $0x0  }
0x5b: {  	[sflag:s11] =	ssyncadd.s32 $0xFFFFFF80  }
0x5c: {  	[tilespmem:s12], [sflag:$0x7] =	stream.indirect.gather [hbm4b:s2+s4], $0x80, s5, s4, $0xb8;
	[tilespmem:$0x18200] =	vst v63  }
0x5d: {  	_ =	swait.ge [sflag:s13], $0x80  }
0x5e: {  	[sflag:s13] =	ssyncset.done $0x0  }
0x5f: {  	[sflag:s13] =	ssyncadd.s32 $0xFFFFFF80  }
0x60: {  	[tilespmem:s14], [sflag:$0x8] =	stream.indirect.gather [hbm4b:s2+s4], $0x80, s6, s4, $0xb8;
	[tilespmem:$0x18200] =	vst v63  }
0x61: {  	_ =	swait.ge [sflag:s15], $0x4000  }
0x62: {  	[sflag:s15] =	ssyncset.done $0x0  }
0x63: {  	s31 =	rddreg [dreg:$0x9];
	[sflag:s15] =	ssyncadd.s32 $0xFFFFC000  }
0x64: {  	[hbm4b:s31+s3] =	stream.linear.scatter [tilespmem:s8], [sflag:$0x9], $0x4000, $0x38;
	[tilespmem:$0x18200] =	vst v63  }
0x65: {  	_ =	swait.ge [sflag:s16], $0x4000  }
0x66: {  	[sflag:s16] =	ssyncset.done $0x0  }
0x67: {  	[sflag:s16] =	ssyncadd.s32 $0xFFFFC000  }
0x68: {  	[hbm4b:s17+s3] =	stream.linear.scatter [tilespmem:s10], [sflag:$0x9], $0x4000, $0x38;
	[tilespmem:$0x18200] =	vst v63  }
0x69: {  	_ =	swait.ge [sflag:s18], $0x4000  }
0x6a: {  	[sflag:s18] =	ssyncset.done $0x0  }
0x6b: {  	[sflag:s18] =	ssyncadd.s32 $0xFFFFC000  }
0x6c: {  	[spmem:s19] =	stream.linear.scatter [tilespmem:s12], [sflag:$0xA], $0x4000, $0x38;
	[tilespmem:$0x18200] =	vst v63  }
0x6d: {  	_ =	swait.ge [sflag:s20], $0x4000  }
0x6e: {  	[sflag:s20] =	ssyncset.done $0x0  }
0x6f: {  	[sflag:s20] =	ssyncadd.s32 $0xFFFFC000  }
0x70: {  	[spmem:s21] =	stream.linear.scatter [tilespmem:s14], [sflag:$0xA], $0x4000, $0x38;
	[tilespmem:$0x18200] =	vst v63  }
0x71: {  	_ =	swait.ge [sflag:s22], $0x4000  }
0x72: {  	[sflag:s22] =	ssyncset.done $0x0  }
0x73: {  	[sflag:s22] =	ssyncadd.s32 $0xFFFFC000  }
0x74: {  	[hbm:s23], [sflag:s24] =	dma.local [spmem:s25], $0x800  }
0x75: {  	_ =	swait.ge [sflag:s22], $0x4000  }
0x76: {  	[sflag:s22] =	ssyncset.done $0x0  }
0x77: {  	[sflag:s22] =	ssyncadd.s32 $0xFFFFC000  }
0x78: {  	[hbm:s26], [sflag:s24] =	dma.local [spmem:s29], $0x800  }
0x79: {  	_ =	swait.ge [sflag:s28], $0x4000  }
0x7a: {  	[sflag:s28] =	ssyncset.done $0x0  }
0x7b: {  	[sflag:s28] =	ssyncadd.s32 $0xFFFFC000  }
0x7c: {  	_ =	swait.ge [sflag:s28], $0x4000  }
0x7d: {  	p0 =	sne.s32 s30, $0x1;
	[sflag:s28] =	ssyncset.done $0x0  }
.Ltmp1:
0x7e: {  	[sflag:s28] =	ssyncadd.s32 $0xFFFFC000;
	(pc) =	sbr.rel @p0 .LBB2_1-.Ltmp1, $4  }
0x7f: {  	_ =	swait.ge [sflag:s28], $0x800  }
0x80: {  	[sflag:s28] =	ssyncset.done $0x0  }
0x81: {  	[sflag:s28] =	ssyncadd.s32 $0xFFFFF800  }
0x82: {  	s30 =	sadd.s32 $0xFFFFFFFF, s30;
	_ =	swait.ge [sflag:s28], $0x800  }
.LBB2_2:
0x83: {  	[sflag:s28] =	ssyncset.done $0x0  }
0x84: {  	[sflag:s28] =	ssyncadd.s32 $0xFFFFF800  }
0x85: {  	_ =	sfence.sel $0x180000  }
0x86: {  	[bflag:$0x0] =	sbarrier.arrive $0xFFFF  }
0x87: {  	_ =	strace $0x90000047  }
0x88: {  	[bflag:$0x2] =	sbarrier.arrive $0xFFFF  }
0x89: {  	p0 =	sne.s32 s0, $0x0;
	s0 =	rddreg [dreg:$0x4]  }
0x8a: {  	s0 =	sadd.s32 @!p0 $0x100000, s0  }
0x8b: {  	[sflag:s0] =	ssyncadd.tile.s32 @!p0 $0x1;
	_ =	shalt  }
.Lfunc_end2:
_tile_overlayer_lowered:
.L_overlay_start_2:
0x8c: {  	(tag) =	ssettag $0x2  }
0x8d: {  	s0 =	rddreg [dreg:$0x0];
	s2 =	stileid.u32  }
0x8e: {  	s1 =	rddreg [dreg:$0x1];
	p0 =	sne.s32 s2, $0x0  }
0x8f: {  	s3 =	rddreg [dreg:$0x2];
	[bflag:$0x3] =	sbarrier.arrive $0xFFFF;
	s2 =	simm.s32 @!p0 $0x1C0B  }
0x90: {  	[timem:s3], [sflag:s2] =	dma.local @!p0 [hbm:s0], s1  }
0x91: {  	s0 =	simm.s32 @!p0 $0xB  }
0x92: {  	_ =	swait.ge @!p0 [sflag:s0], s1  }
0x93: {  	s1 =	ssub.s32 @!p0 $0x0, s1;
	[sflag:s0] =	ssyncset.done @!p0 $0x0  }
0x94: {  	[sflag:s0] =	ssyncadd.s32 @!p0 s1  }
0x95: {  	[bflag:$0x3] =	sbarrier.arrive $0xFFFF  }
0x96: {  	_ =	shalt  }

</sc_bundles>
